<compile_context>
chip_gen: v7x
topology: tpu7x:2x2x1
jax: 0.10.2.dev20260603
libtpu: 0.0.44.dev20260713+nightly
codegen_flags: <defaults>
</compile_context>

<pallas_src>
import functools

import jax
import jax.numpy as jnp
from jax import lax
from jax.experimental import pallas as pl
from jax.experimental.pallas import tpu as pltpu
from jax.experimental.pallas import tpu_sc as plsc

D_MODEL = 128
BATCH = 16384
_NUM_CORES = 2
_NUM_SUBCORES = 16
_NW = _NUM_CORES * _NUM_SUBCORES
_BPW = BATCH // _NW

_TABLE_ROWS = 1000
_K = 4

_mesh = plsc.VectorSubcoreMesh(core_axis_name="c", subcore_axis_name="s")


@functools.partial(
    pl.kernel,
    mesh=_mesh,
    out_type=jax.ShapeDtypeStruct((BATCH, D_MODEL), jnp.float32),
    scratch_types=[
        pltpu.VMEM((_BPW,), jnp.int32),
        pltpu.VMEM((_BPW, D_MODEL), jnp.float32),
        pltpu.VMEM_SHARED((_TABLE_ROWS, D_MODEL), jnp.float32),
        pltpu.SemaphoreType.DMA,
        pltpu.SemaphoreType.DMA,
    ],
)
def _pe_gather(t_hbm, pe_hbm, out_hbm, idx_v, rows_v, table_s, sem, ssem):
    sid = lax.axis_index("s")
    wid = sid * _NUM_CORES + lax.axis_index("c")
    base = wid * _BPW
    pltpu.sync_copy(t_hbm.at[pl.ds(base, _BPW)], idx_v)
    bounds = [0, 32, 128, 256, 384, _BPW]
    gathers = [
        pltpu.async_copy(
            pe_hbm.at[idx_v.at[pl.ds(0, 32)]], rows_v.at[pl.ds(0, 32)], ssem
        )
    ]

    @pl.when(sid < 7)
    def _():
        pltpu.sync_copy(
            pe_hbm.at[pl.ds(sid * 128, 128)], table_s.at[pl.ds(sid * 128, 128)]
        )

    @pl.when(sid == 7)
    def _():
        pltpu.sync_copy(pe_hbm.at[pl.ds(896, 104)], table_s.at[pl.ds(896, 104)])

    plsc.subcore_barrier()
    gathers += [
        pltpu.async_copy(
            table_s.at[idx_v.at[pl.ds(bounds[i], bounds[i + 1] - bounds[i])]],
            rows_v.at[pl.ds(bounds[i], bounds[i + 1] - bounds[i])],
            sem,
        )
        for i in range(1, len(bounds) - 1)
    ]
    scatters = []
    for i in range(len(bounds) - 1):
        lo, n = bounds[i], bounds[i + 1] - bounds[i]
        gathers[i].wait()
        scatters.append(
            pltpu.async_copy(
                rows_v.at[pl.ds(lo, n)], out_hbm.at[pl.ds(base + lo, n)], ssem
            )
        )
    for s in scatters:
        s.wait()


def kernel(t, pe):
    return _pe_gather(t, pe)

# --- scband reference (transcript-rebuilt; emitter-appended) ---
"""Pipeline reference for scband-positional-encoder-44770739093553 (READ-ONLY COPY).

The authoritative reference and input builder live on the scoring server;
editing this copy changes nothing except your own understanding.
"""

import math
import jax, jax.numpy as jnp
import numpy as np

D_MODEL = 128
MAX_TIMESTEPS = 1000
N_BASE = 10000.0
BATCH = 16384

def _build_pe():
    position = jnp.arange(MAX_TIMESTEPS, dtype=jnp.float32)[:, None]
    div_term = jnp.exp(jnp.arange(0, D_MODEL, 2, dtype=jnp.float32) * (-math.log(N_BASE) / D_MODEL))
    pe = jnp.zeros((MAX_TIMESTEPS, D_MODEL), dtype=jnp.float32)
    pe = pe.at[:, 0::2].set(jnp.sin(position * div_term))
    pe = pe.at[:, 1::2].set(jnp.cos(position * div_term[: D_MODEL // 2]))
    return pe

def setup_inputs(seed: int = 0) -> dict:
    key = jax.random.key(seed)
    t = jax.random.randint(key, (BATCH,), 0, MAX_TIMESTEPS, dtype=jnp.int32)
    pe = _build_pe()
    return {"t": t, "pe": pe}

def reference(t, pe):
    # PositionalEncoder.forward: t_emb = self.pe[t, :]; dropout p=0.0 -> identity
    t_emb = jnp.take(pe, t, axis=0)
    return t_emb

if __name__ == "__main__":
    import jax
    _d = setup_inputs()
    print(jax.jit(kernel)(*tuple(_d.values())))

</pallas_src>

<mosaic_0001>
#map = affine_map<(d0, d1) -> (0)>
#map1 = affine_map<(d0, d1) -> (0, 0)>
module attributes {stable_mosaic.version = 14 : i64} {
  func.func @_pe_gather(%arg0: i32, %arg1: i32, %arg2: memref<16384xi32, #tpu.memory_space<hbm>>, %arg3: memref<1000x128xf32, #tpu.memory_space<hbm>>, %arg4: memref<16384x128xf32, #tpu.memory_space<hbm>>, %arg5: memref<512xi32, #tpu.memory_space<vmem>>, %arg6: memref<512x128xf32, #tpu.memory_space<vmem>>, %arg7: memref<1000x128xf32, #tpu.memory_space<vmem_shared>>, %arg8: memref<!tpu.dma_semaphore, #tpu.memory_space<semaphore_mem>>, %arg9: memref<!tpu.dma_semaphore, #tpu.memory_space<semaphore_mem>>) attributes {dimension_semantics = [#tpu.dimension_semantics<core_parallel>, #tpu.dimension_semantics<subcore_parallel>], iteration_bounds = array<i64: 2, 16>, scalar_prefetch = 0 : i64, scratch_operands = 5 : i64, tpu.core_type = #tpu.core_type<sc_vector_subcore>, window_params = [{transform_indices = #map}, {transform_indices = #map1}, {transform_indices = #map1}]} {
    %mul3A = arith.constant 2 : i32
    %mul3A_0 = arith.muli %arg1, %mul3A : i32
    %add3A = arith.addi %mul3A_0, %arg0 : i32
    %mul3A_1 = arith.constant 512 : i32
    %mul3A_2 = arith.muli %add3A, %mul3A_1 : i32
    "tpu.region"() ({
      %run_scoped3A = tpu.sem_alloc : memref<!tpu.dma_semaphore, #tpu.memory_space<semaphore_mem>>
      %dma_start3A_197 = tpu.memref_slice %arg2[%mul3A_2] : memref<16384xi32, #tpu.memory_space<hbm>> -> memref<512xi32, #tpu.memory_space<hbm>>
      %dma_start3A_198 = tpu.memref_slice %arg2[%mul3A_2] : memref<16384xi32, #tpu.memory_space<hbm>> -> memref<512xi32, #tpu.memory_space<hbm>>
      tpu.enqueue_dma source(%dma_start3A_198 : memref<512xi32, #tpu.memory_space<hbm>>) target(%arg5 : memref<512xi32, #tpu.memory_space<vmem>>) target_semaphore(%run_scoped3A : memref<!tpu.dma_semaphore, #tpu.memory_space<semaphore_mem>>)
      %dma_wait3A_199 = tpu.memref_slice %arg2[%mul3A_2] : memref<16384xi32, #tpu.memory_space<hbm>> -> memref<512xi32, #tpu.memory_space<hbm>>
      %dma_wait3A_200 = tpu.memref_slice %arg2[%mul3A_2] : memref<16384xi32, #tpu.memory_space<hbm>> -> memref<512xi32, #tpu.memory_space<hbm>>
      tpu.wait_dma2 semaphore(%run_scoped3A : memref<!tpu.dma_semaphore, #tpu.memory_space<semaphore_mem>>) src(%dma_wait3A_200 : memref<512xi32, #tpu.memory_space<hbm>>) dst(%arg5 : memref<512xi32, #tpu.memory_space<vmem>>)
      tpu.yield
    }) : () -> ()
    %dma_start3A = arith.constant 0 : i32
    %dma_start3A_3 = arith.constant 0 : i32
    %dma_start3A_4 = tpu.memref_slice %arg6[%dma_start3A, %dma_start3A_3] : memref<512x128xf32, #tpu.memory_space<vmem>> -> memref<32x128xf32, #tpu.memory_space<vmem>>
    %dma_start3A_5 = arith.constant 0 : i32
    %dma_start3A_6 = tpu.memref_slice %arg5[%dma_start3A_5] : memref<512xi32, #tpu.memory_space<vmem>> -> memref<32xi32, #tpu.memory_space<vmem>>
    %dma_start3A_7 = arith.constant 0 : i32
    %dma_start3A_8 = arith.constant 0 : i32
    %dma_start3A_9 = tpu.memref_slice %arg3[%dma_start3A_7, %dma_start3A_8] : memref<1000x128xf32, #tpu.memory_space<hbm>> -> memref<1000x128xf32, #tpu.memory_space<hbm>>
    tpu.enqueue_indirect_dma source(%dma_start3A_9 : memref<1000x128xf32, #tpu.memory_space<hbm>>) target(%dma_start3A_4 : memref<32x128xf32, #tpu.memory_space<vmem>>) offsets(%dma_start3A_6 : memref<32xi32, #tpu.memory_space<vmem>>) semaphore(%arg9 : memref<!tpu.dma_semaphore, #tpu.memory_space<semaphore_mem>>)
    %lt3A = arith.constant 7 : i32
    %lt3A_10 = arith.cmpi slt, %arg1, %lt3A : i32
    %convert_element_type3A = arith.extui %lt3A_10 : i1 to i32
    %cond3A = arith.constant 0 : i32
    %cond3A_11 = arith.cmpi ne, %convert_element_type3A, %cond3A : i32
    scf.if %cond3A_11 {
      %mul3A_197 = arith.constant 128 : i32
      %mul3A_198 = arith.muli %arg1, %mul3A_197 : i32
      %mul3A_199 = arith.constant 128 : i32
      %mul3A_200 = arith.muli %arg1, %mul3A_199 : i32
      "tpu.region"() ({
        %run_scoped3A = tpu.sem_alloc : memref<!tpu.dma_semaphore, #tpu.memory_space<semaphore_mem>>
        %dma_start3A_201 = arith.constant 0 : i32
        %dma_start3A_202 = tpu.memref_slice %arg7[%mul3A_200, %dma_start3A_201] : memref<1000x128xf32, #tpu.memory_space<vmem_shared>> -> memref<128x128xf32, #tpu.memory_space<vmem_shared>>
        %dma_start3A_203 = arith.constant 0 : i32
        %dma_start3A_204 = tpu.memref_slice %arg3[%mul3A_198, %dma_start3A_203] : memref<1000x128xf32, #tpu.memory_space<hbm>> -> memref<128x128xf32, #tpu.memory_space<hbm>>
        tpu.enqueue_dma source(%dma_start3A_204 : memref<128x128xf32, #tpu.memory_space<hbm>>) target(%dma_start3A_202 : memref<128x128xf32, #tpu.memory_space<vmem_shared>>) target_semaphore(%run_scoped3A : memref<!tpu.dma_semaphore, #tpu.memory_space<semaphore_mem>>)
        %dma_wait3A_205 = arith.constant 0 : i32
        %dma_wait3A_206 = tpu.memref_slice %arg7[%mul3A_200, %dma_wait3A_205] : memref<1000x128xf32, #tpu.memory_space<vmem_shared>> -> memref<128x128xf32, #tpu.memory_space<vmem_shared>>
        %dma_wait3A_207 = arith.constant 0 : i32
        %dma_wait3A_208 = tpu.memref_slice %arg3[%mul3A_198, %dma_wait3A_207] : memref<1000x128xf32, #tpu.memory_space<hbm>> -> memref<128x128xf32, #tpu.memory_space<hbm>>
        tpu.wait_dma2 semaphore(%run_scoped3A : memref<!tpu.dma_semaphore, #tpu.memory_space<semaphore_mem>>) src(%dma_wait3A_208 : memref<128x128xf32, #tpu.memory_space<hbm>>) dst(%dma_wait3A_206 : memref<128x128xf32, #tpu.memory_space<vmem_shared>>)
        tpu.yield
      }) : () -> ()
    } else {
    }
    %eq3A = arith.constant 7 : i32
    %eq3A_12 = arith.cmpi eq, %arg1, %eq3A : i32
    %convert_element_type3A_13 = arith.extui %eq3A_12 : i1 to i32
    %cond3A_14 = arith.constant 0 : i32
    %cond3A_15 = arith.cmpi ne, %convert_element_type3A_13, %cond3A_14 : i32
    scf.if %cond3A_15 {
      "tpu.region"() ({
        %run_scoped3A = tpu.sem_alloc : memref<!tpu.dma_semaphore, #tpu.memory_space<semaphore_mem>>
        %dma_start3A_197 = arith.constant 896 : i32
        %dma_start3A_198 = arith.constant 0 : i32
        %dma_start3A_199 = tpu.memref_slice %arg7[%dma_start3A_197, %dma_start3A_198] : memref<1000x128xf32, #tpu.memory_space<vmem_shared>> -> memref<104x128xf32, #tpu.memory_space<vmem_shared>>
        %dma_start3A_200 = arith.constant 896 : i32
        %dma_start3A_201 = arith.constant 0 : i32
        %dma_start3A_202 = tpu.memref_slice %arg3[%dma_start3A_200, %dma_start3A_201] : memref<1000x128xf32, #tpu.memory_space<hbm>> -> memref<104x128xf32, #tpu.memory_space<hbm>>
        tpu.enqueue_dma source(%dma_start3A_202 : memref<104x128xf32, #tpu.memory_space<hbm>>) target(%dma_start3A_199 : memref<104x128xf32, #tpu.memory_space<vmem_shared>>) target_semaphore(%run_scoped3A : memref<!tpu.dma_semaphore, #tpu.memory_space<semaphore_mem>>)
        %dma_wait3A_203 = arith.constant 896 : i32
        %dma_wait3A_204 = arith.constant 0 : i32
        %dma_wait3A_205 = tpu.memref_slice %arg7[%dma_wait3A_203, %dma_wait3A_204] : memref<1000x128xf32, #tpu.memory_space<vmem_shared>> -> memref<104x128xf32, #tpu.memory_space<vmem_shared>>
        %dma_wait3A_206 = arith.constant 896 : i32
        %dma_wait3A_207 = arith.constant 0 : i32
        %dma_wait3A_208 = tpu.memref_slice %arg3[%dma_wait3A_206, %dma_wait3A_207] : memref<1000x128xf32, #tpu.memory_space<hbm>> -> memref<104x128xf32, #tpu.memory_space<hbm>>
        tpu.wait_dma2 semaphore(%run_scoped3A : memref<!tpu.dma_semaphore, #tpu.memory_space<semaphore_mem>>) src(%dma_wait3A_208 : memref<104x128xf32, #tpu.memory_space<hbm>>) dst(%dma_wait3A_205 : memref<104x128xf32, #tpu.memory_space<vmem_shared>>)
        tpu.yield
      }) : () -> ()
    } else {
    }
    %barrier3A = arith.constant 0 : index
    tpu.barrier barrier_id(%barrier3A)
    %dma_start3A_16 = arith.constant 32 : i32
    %dma_start3A_17 = arith.constant 0 : i32
    %dma_start3A_18 = tpu.memref_slice %arg6[%dma_start3A_16, %dma_start3A_17] : memref<512x128xf32, #tpu.memory_space<vmem>> -> memref<96x128xf32, #tpu.memory_space<vmem>>
    %dma_start3A_19 = arith.constant 32 : i32
    %dma_start3A_20 = tpu.memref_slice %arg5[%dma_start3A_19] : memref<512xi32, #tpu.memory_space<vmem>> -> memref<96xi32, #tpu.memory_space<vmem>>
    %dma_start3A_21 = arith.constant 0 : i32
    %dma_start3A_22 = arith.constant 0 : i32
    %dma_start3A_23 = tpu.memref_slice %arg7[%dma_start3A_21, %dma_start3A_22] : memref<1000x128xf32, #tpu.memory_space<vmem_shared>> -> memref<1000x128xf32, #tpu.memory_space<vmem_shared>>
    tpu.enqueue_indirect_dma source(%dma_start3A_23 : memref<1000x128xf32, #tpu.memory_space<vmem_shared>>) target(%dma_start3A_18 : memref<96x128xf32, #tpu.memory_space<vmem>>) offsets(%dma_start3A_20 : memref<96xi32, #tpu.memory_space<vmem>>) semaphore(%arg8 : memref<!tpu.dma_semaphore, #tpu.memory_space<semaphore_mem>>)
    %dma_start3A_24 = arith.constant 128 : i32
    %dma_start3A_25 = arith.constant 0 : i32
    %dma_start3A_26 = tpu.memref_slice %arg6[%dma_start3A_24, %dma_start3A_25] : memref<512x128xf32, #tpu.memory_space<vmem>> -> memref<128x128xf32, #tpu.memory_space<vmem>>
    %dma_start3A_27 = arith.constant 128 : i32
    %dma_start3A_28 = tpu.memref_slice %arg5[%dma_start3A_27] : memref<512xi32, #tpu.memory_space<vmem>> -> memref<128xi32, #tpu.memory_space<vmem>>
    %dma_start3A_29 = arith.constant 0 : i32
    %dma_start3A_30 = arith.constant 0 : i32
    %dma_start3A_31 = tpu.memref_slice %arg7[%dma_start3A_29, %dma_start3A_30] : memref<1000x128xf32, #tpu.memory_space<vmem_shared>> -> memref<1000x128xf32, #tpu.memory_space<vmem_shared>>
    tpu.enqueue_indirect_dma source(%dma_start3A_31 : memref<1000x128xf32, #tpu.memory_space<vmem_shared>>) target(%dma_start3A_26 : memref<128x128xf32, #tpu.memory_space<vmem>>) offsets(%dma_start3A_28 : memref<128xi32, #tpu.memory_space<vmem>>) semaphore(%arg8 : memref<!tpu.dma_semaphore, #tpu.memory_space<semaphore_mem>>)
    %dma_start3A_32 = arith.constant 256 : i32
    %dma_start3A_33 = arith.constant 0 : i32
    %dma_start3A_34 = tpu.memref_slice %arg6[%dma_start3A_32, %dma_start3A_33] : memref<512x128xf32, #tpu.memory_space<vmem>> -> memref<128x128xf32, #tpu.memory_space<vmem>>
    %dma_start3A_35 = arith.constant 256 : i32
    %dma_start3A_36 = tpu.memref_slice %arg5[%dma_start3A_35] : memref<512xi32, #tpu.memory_space<vmem>> -> memref<128xi32, #tpu.memory_space<vmem>>
    %dma_start3A_37 = arith.constant 0 : i32
    %dma_start3A_38 = arith.constant 0 : i32
    %dma_start3A_39 = tpu.memref_slice %arg7[%dma_start3A_37, %dma_start3A_38] : memref<1000x128xf32, #tpu.memory_space<vmem_shared>> -> memref<1000x128xf32, #tpu.memory_space<vmem_shared>>
    tpu.enqueue_indirect_dma source(%dma_start3A_39 : memref<1000x128xf32, #tpu.memory_space<vmem_shared>>) target(%dma_start3A_34 : memref<128x128xf32, #tpu.memory_space<vmem>>) offsets(%dma_start3A_36 : memref<128xi32, #tpu.memory_space<vmem>>) semaphore(%arg8 : memref<!tpu.dma_semaphore, #tpu.memory_space<semaphore_mem>>)
    %dma_start3A_40 = arith.constant 384 : i32
    %dma_start3A_41 = arith.constant 0 : i32
    %dma_start3A_42 = tpu.memref_slice %arg6[%dma_start3A_40, %dma_start3A_41] : memref<512x128xf32, #tpu.memory_space<vmem>> -> memref<128x128xf32, #tpu.memory_space<vmem>>
    %dma_start3A_43 = arith.constant 384 : i32
    %dma_start3A_44 = tpu.memref_slice %arg5[%dma_start3A_43] : memref<512xi32, #tpu.memory_space<vmem>> -> memref<128xi32, #tpu.memory_space<vmem>>
    %dma_start3A_45 = arith.constant 0 : i32
    %dma_start3A_46 = arith.constant 0 : i32
    %dma_start3A_47 = tpu.memref_slice %arg7[%dma_start3A_45, %dma_start3A_46] : memref<1000x128xf32, #tpu.memory_space<vmem_shared>> -> memref<1000x128xf32, #tpu.memory_space<vmem_shared>>
    tpu.enqueue_indirect_dma source(%dma_start3A_47 : memref<1000x128xf32, #tpu.memory_space<vmem_shared>>) target(%dma_start3A_42 : memref<128x128xf32, #tpu.memory_space<vmem>>) offsets(%dma_start3A_44 : memref<128xi32, #tpu.memory_space<vmem>>) semaphore(%arg8 : memref<!tpu.dma_semaphore, #tpu.memory_space<semaphore_mem>>)
    %dma_wait3A = arith.constant 0 : i32
    %dma_wait3A_48 = arith.constant 0 : i32
    %dma_wait3A_49 = tpu.memref_slice %arg6[%dma_wait3A, %dma_wait3A_48] : memref<512x128xf32, #tpu.memory_space<vmem>> -> memref<32x128xf32, #tpu.memory_space<vmem>>
    %dma_wait3A_50 = arith.constant 0 : i32
    %dma_wait3A_51 = tpu.memref_slice %arg5[%dma_wait3A_50] : memref<512xi32, #tpu.memory_space<vmem>> -> memref<32xi32, #tpu.memory_space<vmem>>
    %dma_wait3A_52 = arith.constant 0 : i32
    %dma_wait3A_53 = arith.constant 0 : i32
    %dma_wait3A_54 = tpu.memref_slice %arg3[%dma_wait3A_52, %dma_wait3A_53] : memref<1000x128xf32, #tpu.memory_space<hbm>> -> memref<1000x128xf32, #tpu.memory_space<hbm>>
    tpu.wait_indirect_dma semaphore(%arg9 : memref<!tpu.dma_semaphore, #tpu.memory_space<semaphore_mem>>) src(%dma_wait3A_54 : memref<1000x128xf32, #tpu.memory_space<hbm>>) dst(%dma_wait3A_49 : memref<32x128xf32, #tpu.memory_space<vmem>>)
    %add3A_55 = arith.constant 0 : i32
    %add3A_56 = arith.addi %mul3A_2, %add3A_55 : i32
    %dma_start3A_57 = arith.constant 0 : i32
    %dma_start3A_58 = arith.constant 0 : i32
    %dma_start3A_59 = tpu.memref_slice %arg6[%dma_start3A_57, %dma_start3A_58] : memref<512x128xf32, #tpu.memory_space<vmem>> -> memref<32x128xf32, #tpu.memory_space<vmem>>
    %dma_start3A_60 = arith.constant 0 : i32
    %dma_start3A_61 = tpu.memref_slice %arg4[%add3A_56, %dma_start3A_60] : memref<16384x128xf32, #tpu.memory_space<hbm>> -> memref<32x128xf32, #tpu.memory_space<hbm>>
    %dma_start3A_62 = arith.constant 0 : i32
    %dma_start3A_63 = tpu.memref_slice %arg4[%add3A_56, %dma_start3A_62] : memref<16384x128xf32, #tpu.memory_space<hbm>> -> memref<32x128xf32, #tpu.memory_space<hbm>>
    %dma_start3A_64 = arith.constant 0 : i32
    %dma_start3A_65 = arith.constant 0 : i32
    %dma_start3A_66 = tpu.memref_slice %arg6[%dma_start3A_64, %dma_start3A_65] : memref<512x128xf32, #tpu.memory_space<vmem>> -> memref<32x128xf32, #tpu.memory_space<vmem>>
    tpu.enqueue_dma source(%dma_start3A_66 : memref<32x128xf32, #tpu.memory_space<vmem>>) target(%dma_start3A_63 : memref<32x128xf32, #tpu.memory_space<hbm>>) target_semaphore(%arg9 : memref<!tpu.dma_semaphore, #tpu.memory_space<semaphore_mem>>)
    %dma_wait3A_67 = arith.constant 32 : i32
    %dma_wait3A_68 = arith.constant 0 : i32
    %dma_wait3A_69 = tpu.memref_slice %arg6[%dma_wait3A_67, %dma_wait3A_68] : memref<512x128xf32, #tpu.memory_space<vmem>> -> memref<96x128xf32, #tpu.memory_space<vmem>>
    %dma_wait3A_70 = arith.constant 32 : i32
    %dma_wait3A_71 = tpu.memref_slice %arg5[%dma_wait3A_70] : memref<512xi32, #tpu.memory_space<vmem>> -> memref<96xi32, #tpu.memory_space<vmem>>
    %dma_wait3A_72 = arith.constant 0 : i32
    %dma_wait3A_73 = arith.constant 0 : i32
    %dma_wait3A_74 = tpu.memref_slice %arg7[%dma_wait3A_72, %dma_wait3A_73] : memref<1000x128xf32, #tpu.memory_space<vmem_shared>> -> memref<1000x128xf32, #tpu.memory_space<vmem_shared>>
    tpu.wait_indirect_dma semaphore(%arg8 : memref<!tpu.dma_semaphore, #tpu.memory_space<semaphore_mem>>) src(%dma_wait3A_74 : memref<1000x128xf32, #tpu.memory_space<vmem_shared>>) dst(%dma_wait3A_69 : memref<96x128xf32, #tpu.memory_space<vmem>>)
    %add3A_75 = arith.constant 32 : i32
    %add3A_76 = arith.addi %mul3A_2, %add3A_75 : i32
    %dma_start3A_77 = arith.constant 32 : i32
    %dma_start3A_78 = arith.constant 0 : i32
    %dma_start3A_79 = tpu.memref_slice %arg6[%dma_start3A_77, %dma_start3A_78] : memref<512x128xf32, #tpu.memory_space<vmem>> -> memref<96x128xf32, #tpu.memory_space<vmem>>
    %dma_start3A_80 = arith.constant 0 : i32
    %dma_start3A_81 = tpu.memref_slice %arg4[%add3A_76, %dma_start3A_80] : memref<16384x128xf32, #tpu.memory_space<hbm>> -> memref<96x128xf32, #tpu.memory_space<hbm>>
    %dma_start3A_82 = arith.constant 0 : i32
    %dma_start3A_83 = tpu.memref_slice %arg4[%add3A_76, %dma_start3A_82] : memref<16384x128xf32, #tpu.memory_space<hbm>> -> memref<96x128xf32, #tpu.memory_space<hbm>>
    %dma_start3A_84 = arith.constant 32 : i32
    %dma_start3A_85 = arith.constant 0 : i32
    %dma_start3A_86 = tpu.memref_slice %arg6[%dma_start3A_84, %dma_start3A_85] : memref<512x128xf32, #tpu.memory_space<vmem>> -> memref<96x128xf32, #tpu.memory_space<vmem>>
    tpu.enqueue_dma source(%dma_start3A_86 : memref<96x128xf32, #tpu.memory_space<vmem>>) target(%dma_start3A_83 : memref<96x128xf32, #tpu.memory_space<hbm>>) target_semaphore(%arg9 : memref<!tpu.dma_semaphore, #tpu.memory_space<semaphore_mem>>)
    %dma_wait3A_87 = arith.constant 128 : i32
    %dma_wait3A_88 = arith.constant 0 : i32
    %dma_wait3A_89 = tpu.memref_slice %arg6[%dma_wait3A_87, %dma_wait3A_88] : memref<512x128xf32, #tpu.memory_space<vmem>> -> memref<128x128xf32, #tpu.memory_space<vmem>>
    %dma_wait3A_90 = arith.constant 128 : i32
    %dma_wait3A_91 = tpu.memref_slice %arg5[%dma_wait3A_90] : memref<512xi32, #tpu.memory_space<vmem>> -> memref<128xi32, #tpu.memory_space<vmem>>
    %dma_wait3A_92 = arith.constant 0 : i32
    %dma_wait3A_93 = arith.constant 0 : i32
    %dma_wait3A_94 = tpu.memref_slice %arg7[%dma_wait3A_92, %dma_wait3A_93] : memref<1000x128xf32, #tpu.memory_space<vmem_shared>> -> memref<1000x128xf32, #tpu.memory_space<vmem_shared>>
    tpu.wait_indirect_dma semaphore(%arg8 : memref<!tpu.dma_semaphore, #tpu.memory_space<semaphore_mem>>) src(%dma_wait3A_94 : memref<1000x128xf32, #tpu.memory_space<vmem_shared>>) dst(%dma_wait3A_89 : memref<128x128xf32, #tpu.memory_space<vmem>>)
    %add3A_95 = arith.constant 128 : i32
    %add3A_96 = arith.addi %mul3A_2, %add3A_95 : i32
    %dma_start3A_97 = arith.constant 128 : i32
    %dma_start3A_98 = arith.constant 0 : i32
    %dma_start3A_99 = tpu.memref_slice %arg6[%dma_start3A_97, %dma_start3A_98] : memref<512x128xf32, #tpu.memory_space<vmem>> -> memref<128x128xf32, #tpu.memory_space<vmem>>
    %dma_start3A_100 = arith.constant 0 : i32
    %dma_start3A_101 = tpu.memref_slice %arg4[%add3A_96, %dma_start3A_100] : memref<16384x128xf32, #tpu.memory_space<hbm>> -> memref<128x128xf32, #tpu.memory_space<hbm>>
    %dma_start3A_102 = arith.constant 0 : i32
    %dma_start3A_103 = tpu.memref_slice %arg4[%add3A_96, %dma_start3A_102] : memref<16384x128xf32, #tpu.memory_space<hbm>> -> memref<128x128xf32, #tpu.memory_space<hbm>>
    %dma_start3A_104 = arith.constant 128 : i32
    %dma_start3A_105 = arith.constant 0 : i32
    %dma_start3A_106 = tpu.memref_slice %arg6[%dma_start3A_104, %dma_start3A_105] : memref<512x128xf32, #tpu.memory_space<vmem>> -> memref<128x128xf32, #tpu.memory_space<vmem>>
    tpu.enqueue_dma source(%dma_start3A_106 : memref<128x128xf32, #tpu.memory_space<vmem>>) target(%dma_start3A_103 : memref<128x128xf32, #tpu.memory_space<hbm>>) target_semaphore(%arg9 : memref<!tpu.dma_semaphore, #tpu.memory_space<semaphore_mem>>)
    %dma_wait3A_107 = arith.constant 256 : i32
    %dma_wait3A_108 = arith.constant 0 : i32
    %dma_wait3A_109 = tpu.memref_slice %arg6[%dma_wait3A_107, %dma_wait3A_108] : memref<512x128xf32, #tpu.memory_space<vmem>> -> memref<128x128xf32, #tpu.memory_space<vmem>>
    %dma_wait3A_110 = arith.constant 256 : i32
    %dma_wait3A_111 = tpu.memref_slice %arg5[%dma_wait3A_110] : memref<512xi32, #tpu.memory_space<vmem>> -> memref<128xi32, #tpu.memory_space<vmem>>
    %dma_wait3A_112 = arith.constant 0 : i32
    %dma_wait3A_113 = arith.constant 0 : i32
    %dma_wait3A_114 = tpu.memref_slice %arg7[%dma_wait3A_112, %dma_wait3A_113] : memref<1000x128xf32, #tpu.memory_space<vmem_shared>> -> memref<1000x128xf32, #tpu.memory_space<vmem_shared>>
    tpu.wait_indirect_dma semaphore(%arg8 : memref<!tpu.dma_semaphore, #tpu.memory_space<semaphore_mem>>) src(%dma_wait3A_114 : memref<1000x128xf32, #tpu.memory_space<vmem_shared>>) dst(%dma_wait3A_109 : memref<128x128xf32, #tpu.memory_space<vmem>>)
    %add3A_115 = arith.constant 256 : i32
    %add3A_116 = arith.addi %mul3A_2, %add3A_115 : i32
    %dma_start3A_117 = arith.constant 256 : i32
    %dma_start3A_118 = arith.constant 0 : i32
    %dma_start3A_119 = tpu.memref_slice %arg6[%dma_start3A_117, %dma_start3A_118] : memref<512x128xf32, #tpu.memory_space<vmem>> -> memref<128x128xf32, #tpu.memory_space<vmem>>
    %dma_start3A_120 = arith.constant 0 : i32
    %dma_start3A_121 = tpu.memref_slice %arg4[%add3A_116, %dma_start3A_120] : memref<16384x128xf32, #tpu.memory_space<hbm>> -> memref<128x128xf32, #tpu.memory_space<hbm>>
    %dma_start3A_122 = arith.constant 0 : i32
    %dma_start3A_123 = tpu.memref_slice %arg4[%add3A_116, %dma_start3A_122] : memref<16384x128xf32, #tpu.memory_space<hbm>> -> memref<128x128xf32, #tpu.memory_space<hbm>>
    %dma_start3A_124 = arith.constant 256 : i32
    %dma_start3A_125 = arith.constant 0 : i32
    %dma_start3A_126 = tpu.memref_slice %arg6[%dma_start3A_124, %dma_start3A_125] : memref<512x128xf32, #tpu.memory_space<vmem>> -> memref<128x128xf32, #tpu.memory_space<vmem>>
    tpu.enqueue_dma source(%dma_start3A_126 : memref<128x128xf32, #tpu.memory_space<vmem>>) target(%dma_start3A_123 : memref<128x128xf32, #tpu.memory_space<hbm>>) target_semaphore(%arg9 : memref<!tpu.dma_semaphore, #tpu.memory_space<semaphore_mem>>)
    %dma_wait3A_127 = arith.constant 384 : i32
    %dma_wait3A_128 = arith.constant 0 : i32
    %dma_wait3A_129 = tpu.memref_slice %arg6[%dma_wait3A_127, %dma_wait3A_128] : memref<512x128xf32, #tpu.memory_space<vmem>> -> memref<128x128xf32, #tpu.memory_space<vmem>>
    %dma_wait3A_130 = arith.constant 384 : i32
    %dma_wait3A_131 = tpu.memref_slice %arg5[%dma_wait3A_130] : memref<512xi32, #tpu.memory_space<vmem>> -> memref<128xi32, #tpu.memory_space<vmem>>
    %dma_wait3A_132 = arith.constant 0 : i32
    %dma_wait3A_133 = arith.constant 0 : i32
    %dma_wait3A_134 = tpu.memref_slice %arg7[%dma_wait3A_132, %dma_wait3A_133] : memref<1000x128xf32, #tpu.memory_space<vmem_shared>> -> memref<1000x128xf32, #tpu.memory_space<vmem_shared>>
    tpu.wait_indirect_dma semaphore(%arg8 : memref<!tpu.dma_semaphore, #tpu.memory_space<semaphore_mem>>) src(%dma_wait3A_134 : memref<1000x128xf32, #tpu.memory_space<vmem_shared>>) dst(%dma_wait3A_129 : memref<128x128xf32, #tpu.memory_space<vmem>>)
    %add3A_135 = arith.constant 384 : i32
    %add3A_136 = arith.addi %mul3A_2, %add3A_135 : i32
    %dma_start3A_137 = arith.constant 384 : i32
    %dma_start3A_138 = arith.constant 0 : i32
    %dma_start3A_139 = tpu.memref_slice %arg6[%dma_start3A_137, %dma_start3A_138] : memref<512x128xf32, #tpu.memory_space<vmem>> -> memref<128x128xf32, #tpu.memory_space<vmem>>
    %dma_start3A_140 = arith.constant 0 : i32
    %dma_start3A_141 = tpu.memref_slice %arg4[%add3A_136, %dma_start3A_140] : memref<16384x128xf32, #tpu.memory_space<hbm>> -> memref<128x128xf32, #tpu.memory_space<hbm>>
    %dma_start3A_142 = arith.constant 0 : i32
    %dma_start3A_143 = tpu.memref_slice %arg4[%add3A_136, %dma_start3A_142] : memref<16384x128xf32, #tpu.memory_space<hbm>> -> memref<128x128xf32, #tpu.memory_space<hbm>>
    %dma_start3A_144 = arith.constant 384 : i32
    %dma_start3A_145 = arith.constant 0 : i32
    %dma_start3A_146 = tpu.memref_slice %arg6[%dma_start3A_144, %dma_start3A_145] : memref<512x128xf32, #tpu.memory_space<vmem>> -> memref<128x128xf32, #tpu.memory_space<vmem>>
    tpu.enqueue_dma source(%dma_start3A_146 : memref<128x128xf32, #tpu.memory_space<vmem>>) target(%dma_start3A_143 : memref<128x128xf32, #tpu.memory_space<hbm>>) target_semaphore(%arg9 : memref<!tpu.dma_semaphore, #tpu.memory_space<semaphore_mem>>)
    %dma_wait3A_147 = arith.constant 0 : i32
    %dma_wait3A_148 = arith.constant 0 : i32
    %dma_wait3A_149 = tpu.memref_slice %arg6[%dma_wait3A_147, %dma_wait3A_148] : memref<512x128xf32, #tpu.memory_space<vmem>> -> memref<32x128xf32, #tpu.memory_space<vmem>>
    %dma_wait3A_150 = arith.constant 0 : i32
    %dma_wait3A_151 = tpu.memref_slice %arg4[%add3A_56, %dma_wait3A_150] : memref<16384x128xf32, #tpu.memory_space<hbm>> -> memref<32x128xf32, #tpu.memory_space<hbm>>
    %dma_wait3A_152 = arith.constant 0 : i32
    %dma_wait3A_153 = tpu.memref_slice %arg4[%add3A_56, %dma_wait3A_152] : memref<16384x128xf32, #tpu.memory_space<hbm>> -> memref<32x128xf32, #tpu.memory_space<hbm>>
    %dma_wait3A_154 = arith.constant 0 : i32
    %dma_wait3A_155 = arith.constant 0 : i32
    %dma_wait3A_156 = tpu.memref_slice %arg6[%dma_wait3A_154, %dma_wait3A_155] : memref<512x128xf32, #tpu.memory_space<vmem>> -> memref<32x128xf32, #tpu.memory_space<vmem>>
    tpu.wait_dma2 semaphore(%arg9 : memref<!tpu.dma_semaphore, #tpu.memory_space<semaphore_mem>>) src(%dma_wait3A_156 : memref<32x128xf32, #tpu.memory_space<vmem>>) dst(%dma_wait3A_153 : memref<32x128xf32, #tpu.memory_space<hbm>>)
    %dma_wait3A_157 = arith.constant 32 : i32
    %dma_wait3A_158 = arith.constant 0 : i32
    %dma_wait3A_159 = tpu.memref_slice %arg6[%dma_wait3A_157, %dma_wait3A_158] : memref<512x128xf32, #tpu.memory_space<vmem>> -> memref<96x128xf32, #tpu.memory_space<vmem>>
    %dma_wait3A_160 = arith.constant 0 : i32
    %dma_wait3A_161 = tpu.memref_slice %arg4[%add3A_76, %dma_wait3A_160] : memref<16384x128xf32, #tpu.memory_space<hbm>> -> memref<96x128xf32, #tpu.memory_space<hbm>>
    %dma_wait3A_162 = arith.constant 0 : i32
    %dma_wait3A_163 = tpu.memref_slice %arg4[%add3A_76, %dma_wait3A_162] : memref<16384x128xf32, #tpu.memory_space<hbm>> -> memref<96x128xf32, #tpu.memory_space<hbm>>
    %dma_wait3A_164 = arith.constant 32 : i32
    %dma_wait3A_165 = arith.constant 0 : i32
    %dma_wait3A_166 = tpu.memref_slice %arg6[%dma_wait3A_164, %dma_wait3A_165] : memref<512x128xf32, #tpu.memory_space<vmem>> -> memref<96x128xf32, #tpu.memory_space<vmem>>
    tpu.wait_dma2 semaphore(%arg9 : memref<!tpu.dma_semaphore, #tpu.memory_space<semaphore_mem>>) src(%dma_wait3A_166 : memref<96x128xf32, #tpu.memory_space<vmem>>) dst(%dma_wait3A_163 : memref<96x128xf32, #tpu.memory_space<hbm>>)
    %dma_wait3A_167 = arith.constant 128 : i32
    %dma_wait3A_168 = arith.constant 0 : i32
    %dma_wait3A_169 = tpu.memref_slice %arg6[%dma_wait3A_167, %dma_wait3A_168] : memref<512x128xf32, #tpu.memory_space<vmem>> -> memref<128x128xf32, #tpu.memory_space<vmem>>
    %dma_wait3A_170 = arith.constant 0 : i32
    %dma_wait3A_171 = tpu.memref_slice %arg4[%add3A_96, %dma_wait3A_170] : memref<16384x128xf32, #tpu.memory_space<hbm>> -> memref<128x128xf32, #tpu.memory_space<hbm>>
    %dma_wait3A_172 = arith.constant 0 : i32
    %dma_wait3A_173 = tpu.memref_slice %arg4[%add3A_96, %dma_wait3A_172] : memref<16384x128xf32, #tpu.memory_space<hbm>> -> memref<128x128xf32, #tpu.memory_space<hbm>>
    %dma_wait3A_174 = arith.constant 128 : i32
    %dma_wait3A_175 = arith.constant 0 : i32
    %dma_wait3A_176 = tpu.memref_slice %arg6[%dma_wait3A_174, %dma_wait3A_175] : memref<512x128xf32, #tpu.memory_space<vmem>> -> memref<128x128xf32, #tpu.memory_space<vmem>>
    tpu.wait_dma2 semaphore(%arg9 : memref<!tpu.dma_semaphore, #tpu.memory_space<semaphore_mem>>) src(%dma_wait3A_176 : memref<128x128xf32, #tpu.memory_space<vmem>>) dst(%dma_wait3A_173 : memref<128x128xf32, #tpu.memory_space<hbm>>)
    %dma_wait3A_177 = arith.constant 256 : i32
    %dma_wait3A_178 = arith.constant 0 : i32
    %dma_wait3A_179 = tpu.memref_slice %arg6[%dma_wait3A_177, %dma_wait3A_178] : memref<512x128xf32, #tpu.memory_space<vmem>> -> memref<128x128xf32, #tpu.memory_space<vmem>>
    %dma_wait3A_180 = arith.constant 0 : i32
    %dma_wait3A_181 = tpu.memref_slice %arg4[%add3A_116, %dma_wait3A_180] : memref<16384x128xf32, #tpu.memory_space<hbm>> -> memref<128x128xf32, #tpu.memory_space<hbm>>
    %dma_wait3A_182 = arith.constant 0 : i32
    %dma_wait3A_183 = tpu.memref_slice %arg4[%add3A_116, %dma_wait3A_182] : memref<16384x128xf32, #tpu.memory_space<hbm>> -> memref<128x128xf32, #tpu.memory_space<hbm>>
    %dma_wait3A_184 = arith.constant 256 : i32
    %dma_wait3A_185 = arith.constant 0 : i32
    %dma_wait3A_186 = tpu.memref_slice %arg6[%dma_wait3A_184, %dma_wait3A_185] : memref<512x128xf32, #tpu.memory_space<vmem>> -> memref<128x128xf32, #tpu.memory_space<vmem>>
    tpu.wait_dma2 semaphore(%arg9 : memref<!tpu.dma_semaphore, #tpu.memory_space<semaphore_mem>>) src(%dma_wait3A_186 : memref<128x128xf32, #tpu.memory_space<vmem>>) dst(%dma_wait3A_183 : memref<128x128xf32, #tpu.memory_space<hbm>>)
    %dma_wait3A_187 = arith.constant 384 : i32
    %dma_wait3A_188 = arith.constant 0 : i32
    %dma_wait3A_189 = tpu.memref_slice %arg6[%dma_wait3A_187, %dma_wait3A_188] : memref<512x128xf32, #tpu.memory_space<vmem>> -> memref<128x128xf32, #tpu.memory_space<vmem>>
    %dma_wait3A_190 = arith.constant 0 : i32
    %dma_wait3A_191 = tpu.memref_slice %arg4[%add3A_136, %dma_wait3A_190] : memref<16384x128xf32, #tpu.memory_space<hbm>> -> memref<128x128xf32, #tpu.memory_space<hbm>>
    %dma_wait3A_192 = arith.constant 0 : i32
    %dma_wait3A_193 = tpu.memref_slice %arg4[%add3A_136, %dma_wait3A_192] : memref<16384x128xf32, #tpu.memory_space<hbm>> -> memref<128x128xf32, #tpu.memory_space<hbm>>
    %dma_wait3A_194 = arith.constant 384 : i32
    %dma_wait3A_195 = arith.constant 0 : i32
    %dma_wait3A_196 = tpu.memref_slice %arg6[%dma_wait3A_194, %dma_wait3A_195] : memref<512x128xf32, #tpu.memory_space<vmem>> -> memref<128x128xf32, #tpu.memory_space<vmem>>
    tpu.wait_dma2 semaphore(%arg9 : memref<!tpu.dma_semaphore, #tpu.memory_space<semaphore_mem>>) src(%dma_wait3A_196 : memref<128x128xf32, #tpu.memory_space<vmem>>) dst(%dma_wait3A_193 : memref<128x128xf32, #tpu.memory_space<hbm>>)
    return
  }
}

</mosaic_0001>

<sc_bundles>
// kernel: kernel.3.cloned.1.call-start
scs
__scs_entry_jumppad:
0x0: {  	(pc) =	sbr.rel $0x88, $3  }
0x1: {  	(tag) =	ssettag $0x0;
	lr =	simm.s32 $0x1  }
0x2: {  	[smem:$0x3F9F] =	sst lr;
	_ =	strace $0xD0000000  }
0x3: {  	_ = 	snop  }
0x4: {  	_ = 	snop  }
0x5: {  	_ = 	snop  }
0x6: {  	_ = 	snop  }
0x7: {  	_ = 	snop  }
__scs_overlays_trampoline_lowered:
0x8: {  	[smem:$0x3FAE] =	sst s0  }
0x9: {  	[smem:$0x3FAF] =	sst s1  }
0xa: {  	[smem:$0x3FB0] =	sst s2  }
0xb: {  	[smem:$0x3FB1] =	sst s3  }
0xc: {  	[smem:$0x3FB2] =	sst s4  }
0xd: {  	[smem:$0x3FB3] =	sst s5  }
0xe: {  	[smem:$0x3FB4] =	sst s6  }
0xf: {  	[smem:$0x3FB5] =	sst s7  }
0x10: {  	[smem:$0x3FB6] =	sst s8  }
0x11: {  	[smem:$0x3FB7] =	sst s9;
	s0 =	simm.s32 @!p0 $0x0  }
0x12: {  	s1 =	sld [smem:$0x3F9D];
	s0 =	simm.s32 @p0 $0x1  }
0x13: {  	[smem:$0x3FB8] =	sst s0;
	s0 =	simm.s32 @!p1 $0x0  }
0x14: {  	s2 =	sld [smem:$0x3F9C];
	s0 =	simm.s32 @p1 $0x1  }
0x15: {  	[smem:$0x3FB9] =	sst s0;
	s0 =	simm.s32 @!p2 $0x0  }
0x16: {  	s3 =	sld [smem:$0x3FDB];
	s0 =	simm.s32 @p2 $0x1  }
0x17: {  	s4 =	simm.s32 $0x1BF5;
	[smem:$0x3FBB] =	sst s0  }
0x18: {  	s0 =	sld [smem:$0x3F9E];
	_ =	swait.ge [sflag:s4], $0x0  }
0x19: {  	s7 =	sld [smem:$0x3F9F]  }
0x1a: {  	s8 =	sadd.s32 $0xFFFFE003, lr  }
0x1b: {  	s9 =	sadd.s32 $0xFFFFFEF7, lr;
	s5 =	simm.s32 $0xFFFFFFFF;
	p2 =	slt.u32 s8, $0xFFFFF086  }
0x1c: {  	p1 =	slt.u32 s9, $0xF7A;
	s5 =	simm.s32 @!p2 $0x0  }
0x1d: {  	s5 =	simm.s32 @p1 $0x1;
	p0 =	seq.s32 s7, s2  }
0x1e: {  	s7 =	smul.u32 @!p0 $0xF7A, s2;
	p2 =	seq.s32 @!p0 s5, $0x0  }
0x1f: {  	s9 =	smul.u32 $0xF7A, s1;
	s8 =	simm.s32 @!p0 $0x1BF5;
	p2 =	por !p2, p0  }
0x20: {  	[sflag:s8] =	ssyncset.s32 @!p0 $0xFFFFF086;
	s6 =	sadd.s32 @!p0 s3, s7;
	s7 =	simm.s32 @!p0 $0x108  }
0x21: {  	s3 =	sadd.s32 s3, s9;
	s6 =	sadd.s32 @!p0 $0x88, s6;
	s7 =	simm.s32 @p2 $0x1082  }
0x22: {  	[simem:s7], [sflag:s8] =	dma.local @!p0 [hbm:s6], $0xF7A  }
0x23: {  	s9 =	sor.u32 $0xD0000000, s2;
	s6 =	simm.s32 $0x108;
	_ =	swait.ge @!p0 [sflag:s8], $0x0  }
0x24: {  	s3 =	sadd.s32 $0x88, s3;
	s6 =	simm.s32 @!p1 $0x1082;
	[sflag:s4] =	ssyncset.s32 $0xFFFFF086  }
0x25: {  	[simem:s6], [sflag:s4] =	dma.local [hbm:s3], $0xF7A  }
0x26: {  	[smem:$0x3F9F] =	sst s1;
	(tag) =	ssettag s2;
	_ =	strace s9  }
0x27: {  	s1 =	sld [smem:$0x3FAF]  }
0x28: {  	s2 =	sld [smem:$0x3FB0]  }
0x29: {  	s4 =	sld [smem:$0x3FB2]  }
0x2a: {  	p0 =	seq.s32 s5, $0x0;
	s5 =	sld [smem:$0x3FB3]  }
0x2b: {  	s6 =	sld [smem:$0x3FB4]  }
0x2c: {  	s7 =	sld [smem:$0x3FB5]  }
0x2d: {  	s3 =	simm.s32 $0x108;
	s8 =	sld [smem:$0x3FB6]  }
0x2e: {  	s3 =	simm.s32 @!p0 $0x1082;
	s9 =	sld [smem:$0x3FB7]  }
0x2f: {  	lr =	sadd.s32 s0, s3;
	s0 =	sld [smem:$0x3FAE]  }
0x30: {  	s3 =	sld [smem:$0x3FB1]  }
0x31: {  	[smem:$0x3FBA] =	sst s10  }
0x32: {  	s10 =	sld [smem:$0x3FB8];
	_ =	sdelay $0x3  }
0x33: {  	p0 =	seq.s32 s10, $0x1;
	s10 =	sld [smem:$0x3FBA];
	_ =	sdelay $0x3  }
0x34: {  	[smem:$0x3FBA] =	sst s10  }
0x35: {  	s10 =	sld [smem:$0x3FB9];
	_ =	sdelay $0x3  }
0x36: {  	p1 =	seq.s32 s10, $0x1;
	s10 =	sld [smem:$0x3FBA];
	_ =	sdelay $0x3  }
0x37: {  	[smem:$0x3FBA] =	sst s10  }
0x38: {  	s10 =	sld [smem:$0x3FBB]  }
0x39: {  	_ = 	snop;
	(pc) =	sbr.ind lr, $3  }
0x3a: {  	_ = 	snop  }
0x3b: {  	_ = 	snop  }
0x3c: {  	p2 =	seq.s32 s10, $0x1;
	s10 =	sld [smem:$0x3FBA]  }
0x3d: {  	_ =	shalt  }
0x3e: {  	_ =	shalt  }
0x3f: {  	_ =	shalt  }
0x40: {  	_ =	shalt  }
0x41: {  	_ =	shalt  }
0x42: {  	_ =	shalt  }
0x43: {  	_ =	shalt  }
0x44: {  	_ =	shalt  }
0x45: {  	_ =	shalt  }
0x46: {  	_ =	shalt  }
0x47: {  	_ =	shalt  }
0x48: {  	_ =	shalt  }
0x49: {  	_ =	shalt  }
0x4a: {  	_ =	shalt  }
0x4b: {  	_ =	shalt  }
0x4c: {  	_ =	shalt  }
0x4d: {  	_ =	shalt  }
0x4e: {  	_ =	shalt  }
0x4f: {  	_ =	shalt  }
0x50: {  	_ =	shalt  }
0x51: {  	_ =	shalt  }
0x52: {  	_ =	shalt  }
0x53: {  	_ =	shalt  }
0x54: {  	_ =	shalt  }
0x55: {  	_ =	shalt  }
0x56: {  	_ =	shalt  }
0x57: {  	_ =	shalt  }
0x58: {  	_ =	shalt  }
0x59: {  	_ =	shalt  }
0x5a: {  	_ =	shalt  }
0x5b: {  	_ =	shalt  }
0x5c: {  	_ =	shalt  }
0x5d: {  	_ =	shalt  }
0x5e: {  	_ =	shalt  }
0x5f: {  	_ =	shalt  }
0x60: {  	_ =	shalt  }
0x61: {  	_ =	shalt  }
0x62: {  	_ =	shalt  }
0x63: {  	_ =	shalt  }
0x64: {  	_ =	shalt  }
0x65: {  	_ =	shalt  }
0x66: {  	_ =	shalt  }
0x67: {  	_ =	shalt  }
0x68: {  	_ =	shalt  }
0x69: {  	_ =	shalt  }
0x6a: {  	_ =	shalt  }
0x6b: {  	_ =	shalt  }
0x6c: {  	_ =	shalt  }
0x6d: {  	_ =	shalt  }
0x6e: {  	_ =	shalt  }
0x6f: {  	_ =	shalt  }
0x70: {  	_ =	shalt  }
0x71: {  	_ =	shalt  }
0x72: {  	_ =	shalt  }
0x73: {  	_ =	shalt  }
0x74: {  	_ =	shalt  }
0x75: {  	_ =	shalt  }
0x76: {  	_ =	shalt  }
0x77: {  	_ =	shalt  }
0x78: {  	_ =	shalt  }
0x79: {  	_ =	shalt  }
0x7a: {  	_ =	shalt  }
0x7b: {  	_ =	shalt  }
0x7c: {  	_ =	shalt  }
0x7d: {  	_ =	shalt  }
0x7e: {  	_ =	shalt  }
0x7f: {  	_ =	shalt  }
0x80: {  	_ =	shalt  }
0x81: {  	_ =	shalt  }
0x82: {  	_ =	shalt  }
0x83: {  	_ =	shalt  }
0x84: {  	_ =	shalt  }
0x85: {  	_ =	shalt  }
0x86: {  	_ =	shalt  }
0x87: {  	_ =	shalt  }
.Lfunc_end0:
.L_simem_size_0:
called_computation_lowered:
.L_overlay_start_0:
0x88: {  	s2 =	sld [smem:$0x3FD9]  }
0x89: {  	s3 =	sld [smem:$0x3FFE];
	_ =	sdelay $0x1  }
0x8a: {  	s1 =	srdreg.scid  }
0x8b: {  	s0 =	sand.u32 $0x1, s1  }
0x8c: {  	s18 =	sshll.u32 s0, $0xA;
	s2 =	sadd.s32 s3, s2  }
0x8d: {  	s2 =	sadd.s32 s2, s18  }
0x8e: {  	[smem:$0x3FC6] =	sst s2  }
0x8f: {  	_ = 	snop  }
0x90: {  	s2 =	sld [smem:$0x3FC9]  }
0x91: {  	s19 =	sld [smem:$0x3FC8]  }
0x92: {  	s4 =	sld [smem:$0x3FD0];
	(tm) =	ssettm $0x1  }
0x93: {  	s5 =	sld [smem:$0x3FFB];
	_ =	sdelay $0x3  }
0x94: {  	_ =	strace s5  }
0x95: {  	s5 =	sld [smem:$0x3FFC];
	_ =	sdelay $0x3  }
0x96: {  	_ =	strace s5  }
0x97: {  	s5 =	sld [smem:$0x3FFD];
	_ =	sdelay $0x3  }
0x98: {  	_ =	strace s5  }
0x99: {  	_ =	strace $0x8FFFFFFF  }
0x9a: {  	s20 =	sld [smem:$0x3FDB];
	_ =	sdelay $0x1  }
0x9b: {  	s6 =	simm.s32 $_scs_section_size  }
0x9c: {  	s7 =	simm.s32 $_size__tile_overlayer_lowered;
	s8 =	simm.s32 $_tile_overlayer_lowered  }
0x9d: {  	s23 =	simm.s32 $0x1BFF;
	s22 =	sshll.u32 s8, $0x1;
	s5 =	sadd.s32 s6, s20  }
0x9e: {  	s9 =	simm.s32 $0x0;
	s21 =	sshll.u32 s7, $0x1;
	s7 =	sadd.s32 s22, s5  }
0x9f: {  	[timem:s9], [sflag:s23] =	dma.local [hbm:s7], s21  }
0xa0: {  	_ =	swait.ge [sflag:s23], s21  }
0xa1: {  	s6 =	ssub.s32 $0x0, s21;
	[sflag:s23] =	ssyncset.done $0x0  }
0xa2: {  	[sflag:s23] =	ssyncadd.s32 s6;
	_ =	sdelay $0x1  }
0xa3: {  	s24 =	simm.s32 $0x1B8B  }
0xa4: {  	_ =	swait.ge [sflag:s24], $0x1  }
0xa5: {  	[sflag:s24] =	ssyncset.done $0x0  }
0xa6: {  	s25 =	simm.s32 $0x1B8E;
	[sflag:s24] =	ssyncadd.s32 $0xFFFFFFFF  }
0xa7: {  	s26 =	simm.s32 $execute0_lowered;
	[smem:$0x3FD2] =	sst s25  }
0xa8: {  	s6 =	sshll.u32 s26, $0x1;
	_ =	strace $0x80000046;
	[dreg:$0x1] =	wrdreg $0xFFFFFFFF  }
0xa9: {  	s28 =	simm.s32 $_size_execute0_lowered;
	s5 =	sadd.s32 s5, s6;
	[dreg:$0x0] =	wrdreg $0x0  }
0xaa: {  	s6 =	sshll.u32 s28, $0x1;
	[dreg:$0x2] =	wrdreg s5  }
0xab: {  	[dreg:$0x3] =	wrdreg s6  }
0xac: {  	[dreg:$0x4] =	wrdreg $0xC0  }
0xad: {  	_ =	task [dreg:s9], $0x5FFFF  }
0xae: {  	[dreg:$0x1] =	wrdreg $0xFFFFFFFF  }
0xaf: {  	[dreg:$0x0] =	wrdreg $0x60  }
0xb0: {  	[dreg:$0x2] =	wrdreg s2  }
0xb1: {  	[dreg:$0x3] =	wrdreg s19  }
0xb2: {  	[dreg:$0x4] =	wrdreg s4  }
0xb3: {  	[dreg:$0x5] =	wrdreg $0x102000  }
0xb4: {  	[dreg:$0x6] =	wrdreg $0x9  }
0xb5: {  	_ =	task.clear_ibuf [dreg:s9], $0x7FFFF;
	_ =	strace $0x90000046  }
0xb6: {  	s29 =	simm.s32 $0x9;
	_ =	strace $0x80000048  }
0xb7: {  	_ =	swait.ge [sflag:s29], $0x1  }
0xb8: {  	[sflag:s29] =	ssyncadd.s32 $0xFFFFFFFF  }
0xb9: {  	_ =	strace $0x90000048  }
0xba: {  	_ =	sfence  }
0xbb: {  	s30 =	sld [smem:$0x0];
	_ =	sdelay $0x2  }
0xbc: {  	s31 =	sshll.u32 s1, $0xD;
	s1 =	sshrl.u32 s1, $0x2  }
0xbd: {  	s3 =	sand.u32 $0x4000, s31;
	s1 =	sadd.s32 s1, s30  }
0xbe: {  	s0 =	sor.u32 s3, s0;
	s1 =	sshll.u32 s1, $0x11  }
0xbf: {  	s0 =	sor.u32 s1, s0  }
0xc0: {  	s0 =	sadd.s32 $0x8F2B, s0  }
0xc1: {  	[sflag:s0] =	ssyncadd.remote.s32 $0x1  }
0xc2: {  	_ =	sfence.sel $0xFFFF  }
0xc3: {  	[dreg:$0x0] =	wrdreg $0xFFFFFFFF;
	(pc) =	sbr.abs _section_cstart, $3  }
0xc4: {  	[dreg:$0x1] =	wrdreg $0xFFFFFFFF  }
0xc5: {  	_ =	task.clear_ibuf [dreg:s9], $0x2FFFF;
	_ =	strace $0x9FFFFFFF  }
0xc6: {  	(tm) =	ssettm $0x7FFFFFFF  }
0xc7: {  	_ =	shalt  }
tec
execute0_lowered:
.L_overlay_start_1:
0x0: {  	(tag) =	ssettag $0x1  }
0x1: {  	s5 =	rddreg [dreg:$0x0]  }
0x2: {  	s2 =	rddreg [dreg:$0x1];
	s1 =	srdreg.scid  }
0x3: {  	s25 =	rddreg [dreg:$0x2];
	s0 =	stileid.u32;
	s1 =	sand.u32 $0x1, s1  }
0x4: {  	s3 =	rddreg [dreg:$0x3];
	s6 =	sshll.u32 s0, $0xA;
	s7 =	sshll.u32 s1, $0x9  }
0x5: {  	s4 =	simm.s32 $0x0;
	s8 =	simm.s32 $0x200;
	s26 =	sor.u32 s7, s6  }
0x6: {  	[smem:$0x7FF] =	sst s4;
	s9 =	sadd.s32 $0x1C000, s3;
	s6 =	sshrl.u32 s26, $0x3  }
0x7: {  	s24 =	sshll.u32 s0, $0xE;
	p0 =	sgt.u32 s0, $0x6;
	s5 =	sadd.s32 s5, s6  }
0x8: {  	s12 =	sshll.u32 s0, $0xB;
	_ =	strace $0x80000047;
	[dreg:$0x5] =	wrdreg s5  }
0x9: {  	p1 =	sne.s32 @p0 s0, $0x7;
	s6 =	simm.s32 $0x3;
	s23 =	rddreg [dreg:$0x5]  }
0xa: {  	[tilespmem:s4], [sflag:$0x3] =	stream.linear.gather [hbm4b:s23+s4], $0x200, $0x38;
	[tilespmem:$0x12140] =	vst v63  }
0xb: {  	s7 =	simm.s32 $0x20;
	p1 =	por p1, !p0;
	_ =	swait.ge [sflag:s6], $0x200  }
0xc: {  	s9 =	sshrl.u32 @!p1 s9, $0x3;
	s10 =	simm.s32 @!p1 $0x1DC3;
	[sflag:s6] =	ssyncset.done $0x0  }
0xd: {  	s11 =	simm.s32 @!p1 $0x3;
	s5 =	sadd.s32 $0x3800, s2;
	[sflag:s6] =	ssyncadd.s32 $0xFFFFFE00  }
0xe: {  	[tilespmem:s8], [sflag:$0x2] =	stream.indirect.gather [hbm4b:s2+s7], $0x80, s4, s7, $0xb8;
	[tilespmem:$0x12140] =	vst v63  }
0xf: {  	[spmem:s9], [sflag:s10] =	dma.local @!p1 [hbm:s5], $0x680  }
0x10: {  	s14 =	sadd.s32 s24, s3;
	s13 =	sshll.u32 @!p0 s0, $0x6;
	_ =	swait.ge @!p1 [sflag:s11], $0x680  }
0x11: {  	s12 =	sadd.s32 s2, s12;
	s15 =	simm.s32 @!p0 $0x3;
	[sflag:s11] =	ssyncset.done @!p1 $0x0  }
0x12: {  	s13 =	sor.u32 @!p0 $0x1C03, s13;
	s14 =	sshrl.u32 @!p0 s14, $0x3;
	[sflag:s11] =	ssyncadd.s32 @!p1 $0xFFFFF980  }
0x13: {  	[spmem:s14], [sflag:s13] =	dma.local @!p0 [hbm:s12], $0x800  }
0x14: {  	_ =	swait.ge @!p0 [sflag:s15], $0x800  }
0x15: {  	[sflag:s15] =	ssyncset.done @!p0 $0x0  }
0x16: {  	[sflag:s15] =	ssyncadd.s32 @!p0 $0xFFFFF800  }
0x17: {  	s16 =	simm.s32 $0x60;
	s17 =	simm.s32 $0x1200;
	[bflag:$0x0] =	sbarrier.arrive $0xFFFF  }
0x18: {  	[tilespmem:s17], [sflag:$0x1] =	stream.indirect.gather [spmem:s3], $0x80, s7, s16, $0xb8;
	[tilespmem:$0x12140] =	vst v63  }
0x19: {  	s18 =	simm.s32 $0x80;
	s19 =	simm.s32 $0x4200  }
0x1a: {  	[tilespmem:s19], [sflag:$0x1] =	stream.indirect.gather [spmem:s3], $0x80, s18, s18, $0xb8;
	[tilespmem:$0x12140] =	vst v63  }
0x1b: {  	s20 =	simm.s32 $0x100;
	s21 =	simm.s32 $0x8200  }
0x1c: {  	[tilespmem:s21], [sflag:$0x1] =	stream.indirect.gather [spmem:s3], $0x80, s20, s18, $0xb8;
	[tilespmem:$0x12140] =	vst v63  }
0x1d: {  	s22 =	simm.s32 $0x180;
	s24 =	simm.s32 $0xC200;
	s23 =	simm.s32 $0x2  }
0x1e: {  	[tilespmem:s24], [sflag:$0x1] =	stream.indirect.gather [spmem:s3], $0x80, s22, s18, $0xb8;
	[tilespmem:$0x12140] =	vst v63  }
0x1f: {  	_ =	swait.ge [sflag:s23], $0x1000  }
0x20: {  	s26 =	sshll.u32 s26, $0x4;
	[sflag:s23] =	ssyncset.done $0x0  }
0x21: {  	s25 =	sadd.s32 s25, s26;
	s26 =	simm.s32 $0x1;
	[sflag:s23] =	ssyncadd.s32 $0xFFFFF000  }
0x22: {  	[hbm4b:s25+s4] =	stream.linear.scatter [tilespmem:s8], [sflag:$0x2], $0x1000, $0x38;
	[tilespmem:$0x12140] =	vst v63  }
0x23: {  	_ =	swait.ge [sflag:s26], $0x3000  }
0x24: {  	[sflag:s26] =	ssyncset.done $0x0  }
0x25: {  	s28 =	sadd.s32 $0x200, s25;
	[sflag:s26] =	ssyncadd.s32 $0xFFFFD000  }
0x26: {  	[hbm4b:s28+s4] =	stream.linear.scatter [tilespmem:s17], [sflag:$0x2], $0x3000, $0x38;
	[tilespmem:$0x12140] =	vst v63  }
0x27: {  	_ =	swait.ge [sflag:s26], $0x4000  }
0x28: {  	[sflag:s26] =	ssyncset.done $0x0  }
0x29: {  	s29 =	sadd.s32 $0x800, s25;
	[sflag:s26] =	ssyncadd.s32 $0xFFFFC000  }
0x2a: {  	[hbm4b:s29+s4] =	stream.linear.scatter [tilespmem:s19], [sflag:$0x2], $0x4000, $0x38;
	[tilespmem:$0x12140] =	vst v63  }
0x2b: {  	_ =	swait.ge [sflag:s26], $0x4000  }
0x2c: {  	[sflag:s26] =	ssyncset.done $0x0  }
0x2d: {  	s30 =	sadd.s32 $0x1000, s25;
	[sflag:s26] =	ssyncadd.s32 $0xFFFFC000  }
0x2e: {  	[hbm4b:s30+s4] =	stream.linear.scatter [tilespmem:s21], [sflag:$0x2], $0x4000, $0x38;
	[tilespmem:$0x12140] =	vst v63  }
0x2f: {  	_ =	swait.ge [sflag:s26], $0x4000  }
0x30: {  	[sflag:s26] =	ssyncset.done $0x0  }
0x31: {  	s31 =	sadd.s32 $0x1800, s25;
	[sflag:s26] =	ssyncadd.s32 $0xFFFFC000  }
0x32: {  	[hbm4b:s31+s4] =	stream.linear.scatter [tilespmem:s24], [sflag:$0x2], $0x4000, $0x38;
	[tilespmem:$0x12140] =	vst v63  }
0x33: {  	_ =	swait.ge [sflag:s23], $0x1000  }
0x34: {  	[sflag:s23] =	ssyncset.done $0x0  }
0x35: {  	s1 =	ssub.s32 $0x2, s1;
	[sflag:s23] =	ssyncadd.s32 $0xFFFFF000  }
0x36: {  	s0 =	sshrl.u32 s1, $0x1;
	_ =	swait.ge [sflag:s23], $0x3000  }
0x37: {  	s0 =	ssub.s32 s1, s0;
	[sflag:s23] =	ssyncset.done $0x0  }
0x38: {  	s0 =	smax.u32 s0, $0x1;
	[sflag:s23] =	ssyncadd.s32 $0xFFFFD000  }
0x39: {  	s1 =	sadd.s32 $0xFFFFFFFF, s0;
	_ =	swait.ge [sflag:s23], $0x4000  }
0x3a: {  	p2 =	sne.s32 s1, $0x0;
	[sflag:s23] =	ssyncset.done $0x0  }
.Ltmp0:
0x3b: {  	[sflag:s23] =	ssyncadd.s32 $0xFFFFC000;
	(pc) =	sbr.rel @!p2 .LBB2_2-.Ltmp0, $4  }
0x3c: {  	_ =	swait.ge [sflag:s23], $0x4000  }
0x3d: {  	[sflag:s23] =	ssyncset.done $0x0  }
0x3e: {  	[sflag:s23] =	ssyncadd.s32 $0xFFFFC000  }
0x3f: {  	_ =	swait.ge [sflag:s23], $0x4000  }
.LBB2_1:
0x40: {  	[sflag:s23] =	ssyncset.done $0x0  }
0x41: {  	s0 =	rddreg [dreg:$0x5];
	[sflag:s23] =	ssyncadd.s32 $0xFFFFC000  }
0x42: {  	[tilespmem:s4], [sflag:$0x3] =	stream.linear.gather [hbm4b:s0+s4], $0x200, $0x38;
	[tilespmem:$0x12140] =	vst v63  }
0x43: {  	_ =	swait.ge [sflag:s6], $0x200  }
0x44: {  	[sflag:s6] =	ssyncset.done $0x0  }
0x45: {  	[sflag:s6] =	ssyncadd.s32 $0xFFFFFE00  }
0x46: {  	[tilespmem:s8], [sflag:$0x2] =	stream.indirect.gather [hbm4b:s2+s7], $0x80, s4, s7, $0xb8;
	[tilespmem:$0x12140] =	vst v63  }
0x47: {  	[spmem:s9], [sflag:s10] =	dma.local @!p1 [hbm:s5], $0x680  }
0x48: {  	_ =	swait.ge @!p1 [sflag:s11], $0x680  }
0x49: {  	[sflag:s11] =	ssyncset.done @!p1 $0x0  }
0x4a: {  	[sflag:s11] =	ssyncadd.s32 @!p1 $0xFFFFF980  }
0x4b: {  	[spmem:s14], [sflag:s13] =	dma.local @!p0 [hbm:s12], $0x800  }
0x4c: {  	_ =	swait.ge @!p0 [sflag:s15], $0x800  }
0x4d: {  	[sflag:s15] =	ssyncset.done @!p0 $0x0  }
0x4e: {  	[sflag:s15] =	ssyncadd.s32 @!p0 $0xFFFFF800  }
0x4f: {  	[bflag:$0x0] =	sbarrier.arrive $0xFFFF  }
0x50: {  	[tilespmem:s17], [sflag:$0x1] =	stream.indirect.gather [spmem:s3], $0x80, s7, s16, $0xb8;
	[tilespmem:$0x12140] =	vst v63  }
0x51: {  	_ = 	snop  }
0x52: {  	[tilespmem:s19], [sflag:$0x1] =	stream.indirect.gather [spmem:s3], $0x80, s18, s18, $0xb8;
	[tilespmem:$0x12140] =	vst v63  }
0x53: {  	_ = 	snop  }
0x54: {  	[tilespmem:s21], [sflag:$0x1] =	stream.indirect.gather [spmem:s3], $0x80, s20, s18, $0xb8;
	[tilespmem:$0x12140] =	vst v63  }
0x55: {  	_ = 	snop  }
0x56: {  	[tilespmem:s24], [sflag:$0x1] =	stream.indirect.gather [spmem:s3], $0x80, s22, s18, $0xb8;
	[tilespmem:$0x12140] =	vst v63  }
0x57: {  	_ =	swait.ge [sflag:s23], $0x1000  }
0x58: {  	[sflag:s23] =	ssyncset.done $0x0  }
0x59: {  	[sflag:s23] =	ssyncadd.s32 $0xFFFFF000  }
0x5a: {  	[hbm4b:s25+s4] =	stream.linear.scatter [tilespmem:s8], [sflag:$0x2], $0x1000, $0x38;
	[tilespmem:$0x12140] =	vst v63  }
0x5b: {  	_ =	swait.ge [sflag:s26], $0x3000  }
0x5c: {  	[sflag:s26] =	ssyncset.done $0x0  }
0x5d: {  	[sflag:s26] =	ssyncadd.s32 $0xFFFFD000  }
0x5e: {  	[hbm4b:s28+s4] =	stream.linear.scatter [tilespmem:s17], [sflag:$0x2], $0x3000, $0x38;
	[tilespmem:$0x12140] =	vst v63  }
0x5f: {  	_ =	swait.ge [sflag:s26], $0x4000  }
0x60: {  	[sflag:s26] =	ssyncset.done $0x0  }
0x61: {  	[sflag:s26] =	ssyncadd.s32 $0xFFFFC000  }
0x62: {  	[hbm4b:s29+s4] =	stream.linear.scatter [tilespmem:s19], [sflag:$0x2], $0x4000, $0x38;
	[tilespmem:$0x12140] =	vst v63  }
0x63: {  	_ =	swait.ge [sflag:s26], $0x4000  }
0x64: {  	[sflag:s26] =	ssyncset.done $0x0  }
0x65: {  	[sflag:s26] =	ssyncadd.s32 $0xFFFFC000  }
0x66: {  	[hbm4b:s30+s4] =	stream.linear.scatter [tilespmem:s21], [sflag:$0x2], $0x4000, $0x38;
	[tilespmem:$0x12140] =	vst v63  }
0x67: {  	_ =	swait.ge [sflag:s26], $0x4000  }
0x68: {  	[sflag:s26] =	ssyncset.done $0x0  }
0x69: {  	[sflag:s26] =	ssyncadd.s32 $0xFFFFC000  }
0x6a: {  	[hbm4b:s31+s4] =	stream.linear.scatter [tilespmem:s24], [sflag:$0x2], $0x4000, $0x38;
	[tilespmem:$0x12140] =	vst v63  }
0x6b: {  	_ =	swait.ge [sflag:s23], $0x1000  }
0x6c: {  	[sflag:s23] =	ssyncset.done $0x0  }
0x6d: {  	[sflag:s23] =	ssyncadd.s32 $0xFFFFF000  }
0x6e: {  	_ =	swait.ge [sflag:s23], $0x3000  }
0x6f: {  	[sflag:s23] =	ssyncset.done $0x0  }
0x70: {  	[sflag:s23] =	ssyncadd.s32 $0xFFFFD000  }
0x71: {  	s1 =	sadd.s32 $0xFFFFFFFF, s1;
	_ =	swait.ge [sflag:s23], $0x4000  }
0x72: {  	p2 =	sne.s32 s1, $0x0;
	[sflag:s23] =	ssyncset.done $0x0  }
.Ltmp1:
0x73: {  	[sflag:s23] =	ssyncadd.s32 $0xFFFFC000;
	(pc) =	sbr.rel @p2 .LBB2_1-.Ltmp1, $4  }
0x74: {  	_ =	swait.ge [sflag:s23], $0x4000  }
0x75: {  	[sflag:s23] =	ssyncset.done $0x0  }
0x76: {  	[sflag:s23] =	ssyncadd.s32 $0xFFFFC000  }
0x77: {  	_ =	swait.ge [sflag:s23], $0x4000  }
.LBB2_2:
0x78: {  	[sflag:s23] =	ssyncset.done $0x0  }
0x79: {  	[sflag:s23] =	ssyncadd.s32 $0xFFFFC000  }
0x7a: {  	_ =	sfence.sel $0x180000  }
0x7b: {  	[bflag:$0x0] =	sbarrier.arrive $0xFFFF  }
0x7c: {  	_ =	strace $0x90000047  }
0x7d: {  	s0 =	stileid.u32;
	[bflag:$0x2] =	sbarrier.arrive $0xFFFF  }
0x7e: {  	p0 =	sne.s32 s0, $0x0;
	s0 =	rddreg [dreg:$0x4]  }
0x7f: {  	s0 =	sadd.s32 @!p0 $0x100000, s0  }
0x80: {  	[sflag:s0] =	ssyncadd.tile.s32 @!p0 $0x1;
	_ =	shalt  }
.Lfunc_end2:
_tile_overlayer_lowered:
.L_overlay_start_2:
0x81: {  	(tag) =	ssettag $0x2  }
0x82: {  	s0 =	rddreg [dreg:$0x0];
	s2 =	stileid.u32  }
0x83: {  	s1 =	rddreg [dreg:$0x1];
	p0 =	sne.s32 s2, $0x0  }
0x84: {  	s3 =	rddreg [dreg:$0x2];
	[bflag:$0x3] =	sbarrier.arrive $0xFFFF;
	s2 =	simm.s32 @!p0 $0x1C03  }
0x85: {  	[timem:s3], [sflag:s2] =	dma.local @!p0 [hbm:s0], s1  }
0x86: {  	s0 =	simm.s32 @!p0 $0x3  }
0x87: {  	_ =	swait.ge @!p0 [sflag:s0], s1  }
0x88: {  	s1 =	ssub.s32 @!p0 $0x0, s1;
	[sflag:s0] =	ssyncset.done @!p0 $0x0  }
0x89: {  	[sflag:s0] =	ssyncadd.s32 @!p0 s1  }
0x8a: {  	[bflag:$0x3] =	sbarrier.arrive $0xFFFF  }
0x8b: {  	_ =	shalt  }

</sc_bundles>
